<compile_context>
chip_gen: v7x
topology: tpu7x:2x2x1
jax: 0.10.2.dev20260603
libtpu: 0.0.44.dev20260713+nightly
codegen_flags: <defaults>
</compile_context>

<pallas_src>
import functools

import jax
import jax.numpy as jnp
from jax import lax
from jax.experimental import pallas as pl
from jax.experimental.pallas import tpu as pltpu
from jax.experimental.pallas import tpu_sc as plsc

INPUT_DIM = 2048
K = 512
CURRENT_TEMP = 5.0
ROWS_PER_BLOCK = 512
TC1_BLOCKS = 6
ONE_BITS = 0x3F800000

_NTILES = 16
_PER_TILE = INPUT_DIM // _NTILES
_NVREG = INPUT_DIM // 16


def _sc_mask_body(soft_hbm, mask_hbm, soft_v, out_v):
    wid = lax.axis_index("s")
    pltpu.sync_copy(soft_hbm, soft_v)

    def count_ge(t):
        def cbody(j, acc):
            for u in range(8):
                v = soft_v[pl.ds((j * 8 + u) * 16, 16)]
                b = lax.bitcast_convert_type(v, jnp.int32)
                acc = acc + jnp.where(b >= t, jnp.int32(1), jnp.int32(0))
            return acc

        acc = lax.fori_loop(0, _NVREG // 8, cbody,
                            jnp.zeros((16,), jnp.int32))
        return jnp.sum(acc)

    def bstep(_, carry):
        lo, hi = carry
        mid = lo + (hi - lo + 1) // 2
        pred = count_ge(mid) >= K
        return (jnp.where(pred, mid, lo), jnp.where(pred, hi, mid - 1))

    lo, _ = lax.fori_loop(0, 31, bstep,
                          (jnp.int32(0), jnp.int32(ONE_BITS)))
    base = wid * _PER_TILE
    for j in range(_PER_TILE // 16):
        v = soft_v[pl.ds(base + j * 16, 16)]
        b = lax.bitcast_convert_type(v, jnp.int32)
        out_v[pl.ds(j * 16, 16)] = jnp.where(
            b >= lo, jnp.float32(1.0), jnp.float32(0.0))
    pltpu.sync_copy(out_v, mask_hbm.at[pl.ds(base, _PER_TILE)])


_sc_mask = functools.partial(
    pl.kernel,
    out_type=jax.ShapeDtypeStruct((INPUT_DIM,), jnp.float32),
    mesh=plsc.VectorSubcoreMesh(core_axis_name="c", subcore_axis_name="s",
                                num_cores=1),
    compiler_params=pltpu.CompilerParams(needs_layout_passes=False),
    scratch_types=[
        pltpu.VMEM((INPUT_DIM,), jnp.float32),
        pltpu.VMEM((_PER_TILE,), jnp.float32),
    ],
)(_sc_mask_body)


def _tc1_body(soft_ref, x_ref, out_ref, mask_ref):
    @pl.when(pl.program_id(0) == 0)
    def _compute_mask():
        soft = soft_ref[...]
        bits = lax.bitcast_convert_type(soft, jnp.int32)

        def step(_, carry):
            lo, hi = carry
            mid = lo + (hi - lo + 1) // 2
            cnt = jnp.sum((bits >= mid).astype(jnp.int32))
            pred = cnt >= K
            return jnp.where(pred, mid, lo), jnp.where(pred, hi, mid - 1)

        lo, _ = lax.fori_loop(
            0, 31, step, (jnp.int32(0), jnp.int32(ONE_BITS)))
        mask_ref[...] = (bits >= lo).astype(jnp.float32)

    out_ref[...] = x_ref[...] * mask_ref[...]


def _tc2_body(mask_ref, x_ref, prev_ref, out_ref):
    del prev_ref
    out_ref[...] = x_ref[...] * mask_ref[...]


def kernel(x, logits):
    noise_key = jax.random.key(42)
    u = jax.random.uniform(noise_key, logits.shape, dtype=logits.dtype)
    noise = -jnp.log(-jnp.log(u + 1e-20) + 1e-20)
    soft_probs = jax.nn.sigmoid((logits + noise) / CURRENT_TEMP)
    soft2d = soft_probs.reshape(1, INPUT_DIM)

    b, s, d = x.shape
    rows = b * s
    x2 = x.reshape(rows, d)
    nblocks = rows // ROWS_PER_BLOCK

    out1 = pl.pallas_call(
        _tc1_body,
        grid=(TC1_BLOCKS,),
        in_specs=[
            pl.BlockSpec((1, d), lambda i: (0, 0)),
            pl.BlockSpec((ROWS_PER_BLOCK, d), lambda i: (i, 0)),
        ],
        out_specs=pl.BlockSpec((ROWS_PER_BLOCK, d), lambda i: (i, 0)),
        out_shape=jax.ShapeDtypeStruct((rows, d), x.dtype),
        scratch_shapes=[pltpu.VMEM((1, d), jnp.float32)],
    )(soft2d, x2)

    mask = _sc_mask(soft_probs).reshape(1, INPUT_DIM)

    tc2_block = 2 * ROWS_PER_BLOCK
    tc2_off = TC1_BLOCKS * ROWS_PER_BLOCK // tc2_block
    out = pl.pallas_call(
        _tc2_body,
        grid=((rows - TC1_BLOCKS * ROWS_PER_BLOCK) // tc2_block,),
        in_specs=[
            pl.BlockSpec((1, d), lambda i: (0, 0)),
            pl.BlockSpec((tc2_block, d),
                         lambda i: (i + tc2_off, 0)),
            pl.BlockSpec(memory_space=pl.ANY),
        ],
        out_specs=pl.BlockSpec((tc2_block, d),
                               lambda i: (i + tc2_off, 0)),
        out_shape=jax.ShapeDtypeStruct((rows, d), x.dtype),
        input_output_aliases={2: 0},
    )(mask, x2, out1)
    return out.reshape(b, s, d)

# --- scband reference (transcript-rebuilt; emitter-appended) ---
"""Pipeline reference for scband-global-ranked-feature-selector-51032801411684 (READ-ONLY COPY).

The authoritative reference and input builder live on the scoring server;
editing this copy changes nothing except your own understanding.
"""

import jax, jax.numpy as jnp
import numpy as np

INPUT_DIM = 2048
K = 512
CURRENT_TEMP = 5.0


def setup_inputs(seed: int = 0) -> dict:
    key = jax.random.key(seed)
    kx, kl = jax.random.split(key)
    x = jax.random.normal(kx, (4, 8192, INPUT_DIM), dtype=jnp.float32)
    logits = jax.random.normal(kl, (INPUT_DIM,), dtype=jnp.float32) * 0.01
    return {"x": x, "logits": logits}


def reference(x, logits):
    # Gumbel-sigmoid (binary concrete) noise, fixed key for determinism
    noise_key = jax.random.key(42)
    u = jax.random.uniform(noise_key, logits.shape, dtype=logits.dtype)
    noise = -jnp.log(-jnp.log(u + 1e-20) + 1e-20)
    soft_probs = jax.nn.sigmoid((logits + noise) / CURRENT_TEMP)
    # kth largest soft probability (detached)
    topk_vals = jax.lax.top_k(soft_probs, K)[0]
    kth_value = jax.lax.stop_gradient(topk_vals[-1])
    hard_mask = (soft_probs >= kth_value).astype(jnp.float32)
    # straight-through estimator
    mask = jax.lax.stop_gradient(hard_mask) - jax.lax.stop_gradient(soft_probs) + soft_probs
    mask = mask.reshape(1, 1, INPUT_DIM)
    return x * mask

if __name__ == "__main__":
    import jax
    _d = setup_inputs()
    print(jax.jit(kernel)(*tuple(_d.values())))

</pallas_src>

<mosaic_0001>
#map = affine_map<(d0, d1) -> (0)>
module attributes {stable_mosaic.version = 14 : i64} {
  func.func @_sc_mask_body(%arg0: i32, %arg1: i32, %arg2: memref<2048xf32, #tpu.memory_space<hbm>>, %arg3: memref<2048xf32, #tpu.memory_space<hbm>>, %arg4: memref<2048xf32, #tpu.memory_space<vmem>>, %arg5: memref<128xf32, #tpu.memory_space<vmem>>) attributes {dimension_semantics = [#tpu.dimension_semantics<core_parallel>, #tpu.dimension_semantics<subcore_parallel>], iteration_bounds = array<i64: 1, 16>, scalar_prefetch = 0 : i64, scratch_operands = 2 : i64, tpu.core_type = #tpu.core_type<sc_vector_subcore>, window_params = [{transform_indices = #map}, {transform_indices = #map}]} {
    "tpu.region"() ({
      %run_scoped3A = tpu.sem_alloc : memref<!tpu.dma_semaphore, #tpu.memory_space<semaphore_mem>>
      tpu.enqueue_dma source(%arg2 : memref<2048xf32, #tpu.memory_space<hbm>>) target(%arg4 : memref<2048xf32, #tpu.memory_space<vmem>>) target_semaphore(%run_scoped3A : memref<!tpu.dma_semaphore, #tpu.memory_space<semaphore_mem>>)
      tpu.wait_dma2 semaphore(%run_scoped3A : memref<!tpu.dma_semaphore, #tpu.memory_space<semaphore_mem>>) src(%arg2 : memref<2048xf32, #tpu.memory_space<hbm>>) dst(%arg4 : memref<2048xf32, #tpu.memory_space<vmem>>)
      tpu.yield
    }) : () -> ()
    %scan3A = arith.constant 0 : i32
    %scan3A_0 = arith.constant 1065353216 : i32
    %scan3A_1 = arith.constant 0 : i32
    %scan3A_2 = arith.constant 31 : i32
    %scan3A_3 = arith.addi %scan3A_1, %scan3A_2 : i32
    %scan3A_4 = arith.constant 1 : i32
    %scan3A_5:2 = scf.for %scan3A_112 = %scan3A_1 to %scan3A_3 step %scan3A_4 iter_args(%scan3A_113 = %scan3A, %scan3A_114 = %scan3A_0) -> (i32, i32)  : i32 {
      %sub3A = arith.subi %scan3A_114, %scan3A_113 : i32
      %add3A_115 = arith.constant 1 : i32
      %add3A_116 = arith.addi %sub3A, %add3A_115 : i32
      %jit3A_117 = arith.constant 2 : i32
      %div3A = arith.divsi %add3A_116, %jit3A_117 : i32
      %sign3A = arith.constant 0 : i32
      %sign3A_118 = arith.cmpi sgt, %add3A_116, %sign3A : i32
      %sign3A_119 = arith.extui %sign3A_118 : i1 to i32
      %sign3A_120 = arith.constant 0 : i32
      %sign3A_121 = arith.cmpi slt, %add3A_116, %sign3A_120 : i32
      %sign3A_122 = arith.extui %sign3A_121 : i1 to i32
      %sign3A_123 = arith.subi %sign3A_119, %sign3A_122 : i32
      %sign3A_124 = arith.constant 0 : i32
      %sign3A_125 = arith.cmpi sgt, %jit3A_117, %sign3A_124 : i32
      %sign3A_126 = arith.extui %sign3A_125 : i1 to i32
      %sign3A_127 = arith.constant 0 : i32
      %sign3A_128 = arith.cmpi slt, %jit3A_117, %sign3A_127 : i32
      %sign3A_129 = arith.extui %sign3A_128 : i1 to i32
      %sign3A_130 = arith.subi %sign3A_126, %sign3A_129 : i32
      %ne3A = arith.cmpi ne, %sign3A_123, %sign3A_130 : i32
      %rem3A = arith.remsi %add3A_116, %jit3A_117 : i32
      %ne3A_131 = arith.constant 0 : i32
      %ne3A_132 = arith.cmpi ne, %rem3A, %ne3A_131 : i32
      %and3A = arith.andi %ne3A, %ne3A_132 : i1
      %sub3A_133 = arith.constant 1 : i32
      %sub3A_134 = arith.subi %div3A, %sub3A_133 : i32
      %select_n3A_135 = arith.select %and3A, %sub3A_134, %div3A : i32
      %add3A_136 = arith.addi %scan3A_113, %select_n3A_135 : i32
      %broadcast_in_dim3A_137 = arith.constant 0 : i32
      %broadcast_in_dim3A_138 = vector.broadcast %broadcast_in_dim3A_137 : i32 to vector<16xi32>
      %scan3A_139 = arith.constant 0 : i32
      %scan3A_140 = arith.constant 16 : i32
      %scan3A_141 = arith.addi %scan3A_139, %scan3A_140 : i32
      %scan3A_142 = arith.constant 1 : i32
      %scan3A_143 = scf.for %scan3A_154 = %scan3A_139 to %scan3A_141 step %scan3A_142 iter_args(%scan3A_155 = %broadcast_in_dim3A_138) -> (vector<16xi32>)  : i32 {
        %mul3A_156 = arith.constant 8 : i32
        %mul3A_157 = arith.muli %scan3A_154, %mul3A_156 : i32
        %add3A_158 = arith.constant 0 : i32
        %add3A_159 = arith.addi %mul3A_157, %add3A_158 : i32
        %mul3A_160 = arith.constant 16 : i32
        %mul3A_161 = arith.muli %add3A_159, %mul3A_160 : i32
        %get3A_162 = arith.index_cast %mul3A_161 : i32 to index
        %get3A_163 = tpu.vector_load %arg4[%get3A_162] {strides = array<i32>} : memref<2048xf32, #tpu.memory_space<vmem>>, vector<16xf32>,
        %bitcast_convert_type3A_164 = tpu.bitcast %get3A_163 : vector<16xf32> -> vector<16xi32>
        %ge3A_165 = vector.broadcast %add3A_136 : i32 to vector<16xi32>
        %ge3A_166 = arith.cmpi sge, %bitcast_convert_type3A_164, %ge3A_165 : vector<16xi32>
        %jit3A_167 = arith.constant 1 : i32
        %jit3A_168 = arith.constant 0 : i32
        %broadcast_in_dim3A_169 = vector.broadcast %jit3A_167 : i32 to vector<16xi32>
        %broadcast_in_dim3A_170 = vector.broadcast %jit3A_168 : i32 to vector<16xi32>
        %select_n3A_171 = arith.select %ge3A_166, %broadcast_in_dim3A_169, %broadcast_in_dim3A_170 : vector<16xi1>, vector<16xi32>
        %add3A_172 = arith.addi %scan3A_155, %select_n3A_171 : vector<16xi32>
        %mul3A_173 = arith.constant 8 : i32
        %mul3A_174 = arith.muli %scan3A_154, %mul3A_173 : i32
        %add3A_175 = arith.constant 1 : i32
        %add3A_176 = arith.addi %mul3A_174, %add3A_175 : i32
        %mul3A_177 = arith.constant 16 : i32
        %mul3A_178 = arith.muli %add3A_176, %mul3A_177 : i32
        %get3A_179 = arith.index_cast %mul3A_178 : i32 to index
        %get3A_180 = tpu.vector_load %arg4[%get3A_179] {strides = array<i32>} : memref<2048xf32, #tpu.memory_space<vmem>>, vector<16xf32>,
        %bitcast_convert_type3A_181 = tpu.bitcast %get3A_180 : vector<16xf32> -> vector<16xi32>
        %ge3A_182 = vector.broadcast %add3A_136 : i32 to vector<16xi32>
        %ge3A_183 = arith.cmpi sge, %bitcast_convert_type3A_181, %ge3A_182 : vector<16xi32>
        %jit3A_184 = arith.constant 1 : i32
        %jit3A_185 = arith.constant 0 : i32
        %broadcast_in_dim3A_186 = vector.broadcast %jit3A_184 : i32 to vector<16xi32>
        %broadcast_in_dim3A_187 = vector.broadcast %jit3A_185 : i32 to vector<16xi32>
        %select_n3A_188 = arith.select %ge3A_183, %broadcast_in_dim3A_186, %broadcast_in_dim3A_187 : vector<16xi1>, vector<16xi32>
        %add3A_189 = arith.addi %add3A_172, %select_n3A_188 : vector<16xi32>
        %mul3A_190 = arith.constant 8 : i32
        %mul3A_191 = arith.muli %scan3A_154, %mul3A_190 : i32
        %add3A_192 = arith.constant 2 : i32
        %add3A_193 = arith.addi %mul3A_191, %add3A_192 : i32
        %mul3A_194 = arith.constant 16 : i32
        %mul3A_195 = arith.muli %add3A_193, %mul3A_194 : i32
        %get3A_196 = arith.index_cast %mul3A_195 : i32 to index
        %get3A_197 = tpu.vector_load %arg4[%get3A_196] {strides = array<i32>} : memref<2048xf32, #tpu.memory_space<vmem>>, vector<16xf32>,
        %bitcast_convert_type3A_198 = tpu.bitcast %get3A_197 : vector<16xf32> -> vector<16xi32>
        %ge3A_199 = vector.broadcast %add3A_136 : i32 to vector<16xi32>
        %ge3A_200 = arith.cmpi sge, %bitcast_convert_type3A_198, %ge3A_199 : vector<16xi32>
        %jit3A_201 = arith.constant 1 : i32
        %jit3A_202 = arith.constant 0 : i32
        %broadcast_in_dim3A_203 = vector.broadcast %jit3A_201 : i32 to vector<16xi32>
        %broadcast_in_dim3A_204 = vector.broadcast %jit3A_202 : i32 to vector<16xi32>
        %select_n3A_205 = arith.select %ge3A_200, %broadcast_in_dim3A_203, %broadcast_in_dim3A_204 : vector<16xi1>, vector<16xi32>
        %add3A_206 = arith.addi %add3A_189, %select_n3A_205 : vector<16xi32>
        %mul3A_207 = arith.constant 8 : i32
        %mul3A_208 = arith.muli %scan3A_154, %mul3A_207 : i32
        %add3A_209 = arith.constant 3 : i32
        %add3A_210 = arith.addi %mul3A_208, %add3A_209 : i32
        %mul3A_211 = arith.constant 16 : i32
        %mul3A_212 = arith.muli %add3A_210, %mul3A_211 : i32
        %get3A_213 = arith.index_cast %mul3A_212 : i32 to index
        %get3A_214 = tpu.vector_load %arg4[%get3A_213] {strides = array<i32>} : memref<2048xf32, #tpu.memory_space<vmem>>, vector<16xf32>,
        %bitcast_convert_type3A_215 = tpu.bitcast %get3A_214 : vector<16xf32> -> vector<16xi32>
        %ge3A_216 = vector.broadcast %add3A_136 : i32 to vector<16xi32>
        %ge3A_217 = arith.cmpi sge, %bitcast_convert_type3A_215, %ge3A_216 : vector<16xi32>
        %jit3A_218 = arith.constant 1 : i32
        %jit3A_219 = arith.constant 0 : i32
        %broadcast_in_dim3A_220 = vector.broadcast %jit3A_218 : i32 to vector<16xi32>
        %broadcast_in_dim3A_221 = vector.broadcast %jit3A_219 : i32 to vector<16xi32>
        %select_n3A_222 = arith.select %ge3A_217, %broadcast_in_dim3A_220, %broadcast_in_dim3A_221 : vector<16xi1>, vector<16xi32>
        %add3A_223 = arith.addi %add3A_206, %select_n3A_222 : vector<16xi32>
        %mul3A_224 = arith.constant 8 : i32
        %mul3A_225 = arith.muli %scan3A_154, %mul3A_224 : i32
        %add3A_226 = arith.constant 4 : i32
        %add3A_227 = arith.addi %mul3A_225, %add3A_226 : i32
        %mul3A_228 = arith.constant 16 : i32
        %mul3A_229 = arith.muli %add3A_227, %mul3A_228 : i32
        %get3A_230 = arith.index_cast %mul3A_229 : i32 to index
        %get3A_231 = tpu.vector_load %arg4[%get3A_230] {strides = array<i32>} : memref<2048xf32, #tpu.memory_space<vmem>>, vector<16xf32>,
        %bitcast_convert_type3A_232 = tpu.bitcast %get3A_231 : vector<16xf32> -> vector<16xi32>
        %ge3A_233 = vector.broadcast %add3A_136 : i32 to vector<16xi32>
        %ge3A_234 = arith.cmpi sge, %bitcast_convert_type3A_232, %ge3A_233 : vector<16xi32>
        %jit3A_235 = arith.constant 1 : i32
        %jit3A_236 = arith.constant 0 : i32
        %broadcast_in_dim3A_237 = vector.broadcast %jit3A_235 : i32 to vector<16xi32>
        %broadcast_in_dim3A_238 = vector.broadcast %jit3A_236 : i32 to vector<16xi32>
        %select_n3A_239 = arith.select %ge3A_234, %broadcast_in_dim3A_237, %broadcast_in_dim3A_238 : vector<16xi1>, vector<16xi32>
        %add3A_240 = arith.addi %add3A_223, %select_n3A_239 : vector<16xi32>
        %mul3A_241 = arith.constant 8 : i32
        %mul3A_242 = arith.muli %scan3A_154, %mul3A_241 : i32
        %add3A_243 = arith.constant 5 : i32
        %add3A_244 = arith.addi %mul3A_242, %add3A_243 : i32
        %mul3A_245 = arith.constant 16 : i32
        %mul3A_246 = arith.muli %add3A_244, %mul3A_245 : i32
        %get3A_247 = arith.index_cast %mul3A_246 : i32 to index
        %get3A_248 = tpu.vector_load %arg4[%get3A_247] {strides = array<i32>} : memref<2048xf32, #tpu.memory_space<vmem>>, vector<16xf32>,
        %bitcast_convert_type3A_249 = tpu.bitcast %get3A_248 : vector<16xf32> -> vector<16xi32>
        %ge3A_250 = vector.broadcast %add3A_136 : i32 to vector<16xi32>
        %ge3A_251 = arith.cmpi sge, %bitcast_convert_type3A_249, %ge3A_250 : vector<16xi32>
        %jit3A_252 = arith.constant 1 : i32
        %jit3A_253 = arith.constant 0 : i32
        %broadcast_in_dim3A_254 = vector.broadcast %jit3A_252 : i32 to vector<16xi32>
        %broadcast_in_dim3A_255 = vector.broadcast %jit3A_253 : i32 to vector<16xi32>
        %select_n3A_256 = arith.select %ge3A_251, %broadcast_in_dim3A_254, %broadcast_in_dim3A_255 : vector<16xi1>, vector<16xi32>
        %add3A_257 = arith.addi %add3A_240, %select_n3A_256 : vector<16xi32>
        %mul3A_258 = arith.constant 8 : i32
        %mul3A_259 = arith.muli %scan3A_154, %mul3A_258 : i32
        %add3A_260 = arith.constant 6 : i32
        %add3A_261 = arith.addi %mul3A_259, %add3A_260 : i32
        %mul3A_262 = arith.constant 16 : i32
        %mul3A_263 = arith.muli %add3A_261, %mul3A_262 : i32
        %get3A_264 = arith.index_cast %mul3A_263 : i32 to index
        %get3A_265 = tpu.vector_load %arg4[%get3A_264] {strides = array<i32>} : memref<2048xf32, #tpu.memory_space<vmem>>, vector<16xf32>,
        %bitcast_convert_type3A_266 = tpu.bitcast %get3A_265 : vector<16xf32> -> vector<16xi32>
        %ge3A_267 = vector.broadcast %add3A_136 : i32 to vector<16xi32>
        %ge3A_268 = arith.cmpi sge, %bitcast_convert_type3A_266, %ge3A_267 : vector<16xi32>
        %jit3A_269 = arith.constant 1 : i32
        %jit3A_270 = arith.constant 0 : i32
        %broadcast_in_dim3A_271 = vector.broadcast %jit3A_269 : i32 to vector<16xi32>
        %broadcast_in_dim3A_272 = vector.broadcast %jit3A_270 : i32 to vector<16xi32>
        %select_n3A_273 = arith.select %ge3A_268, %broadcast_in_dim3A_271, %broadcast_in_dim3A_272 : vector<16xi1>, vector<16xi32>
        %add3A_274 = arith.addi %add3A_257, %select_n3A_273 : vector<16xi32>
        %mul3A_275 = arith.constant 8 : i32
        %mul3A_276 = arith.muli %scan3A_154, %mul3A_275 : i32
        %add3A_277 = arith.constant 7 : i32
        %add3A_278 = arith.addi %mul3A_276, %add3A_277 : i32
        %mul3A_279 = arith.constant 16 : i32
        %mul3A_280 = arith.muli %add3A_278, %mul3A_279 : i32
        %get3A_281 = arith.index_cast %mul3A_280 : i32 to index
        %get3A_282 = tpu.vector_load %arg4[%get3A_281] {strides = array<i32>} : memref<2048xf32, #tpu.memory_space<vmem>>, vector<16xf32>,
        %bitcast_convert_type3A_283 = tpu.bitcast %get3A_282 : vector<16xf32> -> vector<16xi32>
        %ge3A_284 = vector.broadcast %add3A_136 : i32 to vector<16xi32>
        %ge3A_285 = arith.cmpi sge, %bitcast_convert_type3A_283, %ge3A_284 : vector<16xi32>
        %jit3A_286 = arith.constant 1 : i32
        %jit3A_287 = arith.constant 0 : i32
        %broadcast_in_dim3A_288 = vector.broadcast %jit3A_286 : i32 to vector<16xi32>
        %broadcast_in_dim3A_289 = vector.broadcast %jit3A_287 : i32 to vector<16xi32>
        %select_n3A_290 = arith.select %ge3A_285, %broadcast_in_dim3A_288, %broadcast_in_dim3A_289 : vector<16xi1>, vector<16xi32>
        %add3A_291 = arith.addi %add3A_274, %select_n3A_290 : vector<16xi32>
        scf.yield %add3A_291 : vector<16xi32>
      }
      %scan3A_144 = arith.constant 16 : i32
      %reduce_sum3A = arith.constant true
      %reduce_sum3A_145 = vector.broadcast %reduce_sum3A : i1 to vector<16xi1>
      %reduce_sum3A_146 = tpu.scan <sum>, %scan3A_143 masked %reduce_sum3A_145 : vector<16xi32>, vector<16xi1> -> vector<16xi32>
      %reduce_sum3A_147 = vector.extract %reduce_sum3A_146[15] : i32 from vector<16xi32>
      %ge3A_148 = arith.constant 512 : i32
      %ge3A_149 = arith.cmpi sge, %reduce_sum3A_147, %ge3A_148 : i32
      %select_n3A_150 = arith.select %ge3A_149, %add3A_136, %scan3A_113 : i32
      %sub3A_151 = arith.constant 1 : i32
      %sub3A_152 = arith.subi %add3A_136, %sub3A_151 : i32
      %select_n3A_153 = arith.select %ge3A_149, %scan3A_114, %sub3A_152 : i32
      scf.yield %select_n3A_150, %select_n3A_153 : i32, i32
    }
    %scan3A_6 = arith.constant 31 : i32
    %mul3A = arith.constant 128 : i32
    %mul3A_7 = arith.muli %arg1, %mul3A : i32
    %add3A = arith.constant 0 : i32
    %add3A_8 = arith.addi %mul3A_7, %add3A : i32
    %get3A = arith.index_cast %add3A_8 : i32 to index
    %get3A_9 = tpu.vector_load %arg4[%get3A] {strides = array<i32>} : memref<2048xf32, #tpu.memory_space<vmem>>, vector<16xf32>,
    %bitcast_convert_type3A = tpu.bitcast %get3A_9 : vector<16xf32> -> vector<16xi32>
    %ge3A = vector.broadcast %scan3A_5#0 : i32 to vector<16xi32>
    %ge3A_10 = arith.cmpi sge, %bitcast_convert_type3A, %ge3A : vector<16xi32>
    %jit3A = arith.constant 1.000000e+00 : f32
    %jit3A_11 = arith.constant 0.000000e+00 : f32
    %broadcast_in_dim3A = vector.broadcast %jit3A : f32 to vector<16xf32>
    %broadcast_in_dim3A_12 = vector.broadcast %jit3A_11 : f32 to vector<16xf32>
    %select_n3A = arith.select %ge3A_10, %broadcast_in_dim3A, %broadcast_in_dim3A_12 : vector<16xi1>, vector<16xf32>
    %swap3A = arith.constant 0 : index
    %swap3A_13 = tpu.vector_load %arg5[%swap3A] {strides = array<i32>} : memref<128xf32, #tpu.memory_space<vmem>>, vector<16xf32>,
    tpu.vector_store %arg5[%swap3A], %select_n3A {strides = array<i32>} : memref<128xf32, #tpu.memory_space<vmem>>, vector<16xf32>,
    %add3A_14 = arith.constant 16 : i32
    %add3A_15 = arith.addi %mul3A_7, %add3A_14 : i32
    %get3A_16 = arith.index_cast %add3A_15 : i32 to index
    %get3A_17 = tpu.vector_load %arg4[%get3A_16] {strides = array<i32>} : memref<2048xf32, #tpu.memory_space<vmem>>, vector<16xf32>,
    %bitcast_convert_type3A_18 = tpu.bitcast %get3A_17 : vector<16xf32> -> vector<16xi32>
    %ge3A_19 = vector.broadcast %scan3A_5#0 : i32 to vector<16xi32>
    %ge3A_20 = arith.cmpi sge, %bitcast_convert_type3A_18, %ge3A_19 : vector<16xi32>
    %jit3A_21 = arith.constant 1.000000e+00 : f32
    %jit3A_22 = arith.constant 0.000000e+00 : f32
    %broadcast_in_dim3A_23 = vector.broadcast %jit3A_21 : f32 to vector<16xf32>
    %broadcast_in_dim3A_24 = vector.broadcast %jit3A_22 : f32 to vector<16xf32>
    %select_n3A_25 = arith.select %ge3A_20, %broadcast_in_dim3A_23, %broadcast_in_dim3A_24 : vector<16xi1>, vector<16xf32>
    %swap3A_26 = arith.constant 16 : index
    %swap3A_27 = tpu.vector_load %arg5[%swap3A_26] {strides = array<i32>} : memref<128xf32, #tpu.memory_space<vmem>>, vector<16xf32>,
    tpu.vector_store %arg5[%swap3A_26], %select_n3A_25 {strides = array<i32>} : memref<128xf32, #tpu.memory_space<vmem>>, vector<16xf32>,
    %add3A_28 = arith.constant 32 : i32
    %add3A_29 = arith.addi %mul3A_7, %add3A_28 : i32
    %get3A_30 = arith.index_cast %add3A_29 : i32 to index
    %get3A_31 = tpu.vector_load %arg4[%get3A_30] {strides = array<i32>} : memref<2048xf32, #tpu.memory_space<vmem>>, vector<16xf32>,
    %bitcast_convert_type3A_32 = tpu.bitcast %get3A_31 : vector<16xf32> -> vector<16xi32>
    %ge3A_33 = vector.broadcast %scan3A_5#0 : i32 to vector<16xi32>
    %ge3A_34 = arith.cmpi sge, %bitcast_convert_type3A_32, %ge3A_33 : vector<16xi32>
    %jit3A_35 = arith.constant 1.000000e+00 : f32
    %jit3A_36 = arith.constant 0.000000e+00 : f32
    %broadcast_in_dim3A_37 = vector.broadcast %jit3A_35 : f32 to vector<16xf32>
    %broadcast_in_dim3A_38 = vector.broadcast %jit3A_36 : f32 to vector<16xf32>
    %select_n3A_39 = arith.select %ge3A_34, %broadcast_in_dim3A_37, %broadcast_in_dim3A_38 : vector<16xi1>, vector<16xf32>
    %swap3A_40 = arith.constant 32 : index
    %swap3A_41 = tpu.vector_load %arg5[%swap3A_40] {strides = array<i32>} : memref<128xf32, #tpu.memory_space<vmem>>, vector<16xf32>,
    tpu.vector_store %arg5[%swap3A_40], %select_n3A_39 {strides = array<i32>} : memref<128xf32, #tpu.memory_space<vmem>>, vector<16xf32>,
    %add3A_42 = arith.constant 48 : i32
    %add3A_43 = arith.addi %mul3A_7, %add3A_42 : i32
    %get3A_44 = arith.index_cast %add3A_43 : i32 to index
    %get3A_45 = tpu.vector_load %arg4[%get3A_44] {strides = array<i32>} : memref<2048xf32, #tpu.memory_space<vmem>>, vector<16xf32>,
    %bitcast_convert_type3A_46 = tpu.bitcast %get3A_45 : vector<16xf32> -> vector<16xi32>
    %ge3A_47 = vector.broadcast %scan3A_5#0 : i32 to vector<16xi32>
    %ge3A_48 = arith.cmpi sge, %bitcast_convert_type3A_46, %ge3A_47 : vector<16xi32>
    %jit3A_49 = arith.constant 1.000000e+00 : f32
    %jit3A_50 = arith.constant 0.000000e+00 : f32
    %broadcast_in_dim3A_51 = vector.broadcast %jit3A_49 : f32 to vector<16xf32>
    %broadcast_in_dim3A_52 = vector.broadcast %jit3A_50 : f32 to vector<16xf32>
    %select_n3A_53 = arith.select %ge3A_48, %broadcast_in_dim3A_51, %broadcast_in_dim3A_52 : vector<16xi1>, vector<16xf32>
    %swap3A_54 = arith.constant 48 : index
    %swap3A_55 = tpu.vector_load %arg5[%swap3A_54] {strides = array<i32>} : memref<128xf32, #tpu.memory_space<vmem>>, vector<16xf32>,
    tpu.vector_store %arg5[%swap3A_54], %select_n3A_53 {strides = array<i32>} : memref<128xf32, #tpu.memory_space<vmem>>, vector<16xf32>,
    %add3A_56 = arith.constant 64 : i32
    %add3A_57 = arith.addi %mul3A_7, %add3A_56 : i32
    %get3A_58 = arith.index_cast %add3A_57 : i32 to index
    %get3A_59 = tpu.vector_load %arg4[%get3A_58] {strides = array<i32>} : memref<2048xf32, #tpu.memory_space<vmem>>, vector<16xf32>,
    %bitcast_convert_type3A_60 = tpu.bitcast %get3A_59 : vector<16xf32> -> vector<16xi32>
    %ge3A_61 = vector.broadcast %scan3A_5#0 : i32 to vector<16xi32>
    %ge3A_62 = arith.cmpi sge, %bitcast_convert_type3A_60, %ge3A_61 : vector<16xi32>
    %jit3A_63 = arith.constant 1.000000e+00 : f32
    %jit3A_64 = arith.constant 0.000000e+00 : f32
    %broadcast_in_dim3A_65 = vector.broadcast %jit3A_63 : f32 to vector<16xf32>
    %broadcast_in_dim3A_66 = vector.broadcast %jit3A_64 : f32 to vector<16xf32>
    %select_n3A_67 = arith.select %ge3A_62, %broadcast_in_dim3A_65, %broadcast_in_dim3A_66 : vector<16xi1>, vector<16xf32>
    %swap3A_68 = arith.constant 64 : index
    %swap3A_69 = tpu.vector_load %arg5[%swap3A_68] {strides = array<i32>} : memref<128xf32, #tpu.memory_space<vmem>>, vector<16xf32>,
    tpu.vector_store %arg5[%swap3A_68], %select_n3A_67 {strides = array<i32>} : memref<128xf32, #tpu.memory_space<vmem>>, vector<16xf32>,
    %add3A_70 = arith.constant 80 : i32
    %add3A_71 = arith.addi %mul3A_7, %add3A_70 : i32
    %get3A_72 = arith.index_cast %add3A_71 : i32 to index
    %get3A_73 = tpu.vector_load %arg4[%get3A_72] {strides = array<i32>} : memref<2048xf32, #tpu.memory_space<vmem>>, vector<16xf32>,
    %bitcast_convert_type3A_74 = tpu.bitcast %get3A_73 : vector<16xf32> -> vector<16xi32>
    %ge3A_75 = vector.broadcast %scan3A_5#0 : i32 to vector<16xi32>
    %ge3A_76 = arith.cmpi sge, %bitcast_convert_type3A_74, %ge3A_75 : vector<16xi32>
    %jit3A_77 = arith.constant 1.000000e+00 : f32
    %jit3A_78 = arith.constant 0.000000e+00 : f32
    %broadcast_in_dim3A_79 = vector.broadcast %jit3A_77 : f32 to vector<16xf32>
    %broadcast_in_dim3A_80 = vector.broadcast %jit3A_78 : f32 to vector<16xf32>
    %select_n3A_81 = arith.select %ge3A_76, %broadcast_in_dim3A_79, %broadcast_in_dim3A_80 : vector<16xi1>, vector<16xf32>
    %swap3A_82 = arith.constant 80 : index
    %swap3A_83 = tpu.vector_load %arg5[%swap3A_82] {strides = array<i32>} : memref<128xf32, #tpu.memory_space<vmem>>, vector<16xf32>,
    tpu.vector_store %arg5[%swap3A_82], %select_n3A_81 {strides = array<i32>} : memref<128xf32, #tpu.memory_space<vmem>>, vector<16xf32>,
    %add3A_84 = arith.constant 96 : i32
    %add3A_85 = arith.addi %mul3A_7, %add3A_84 : i32
    %get3A_86 = arith.index_cast %add3A_85 : i32 to index
    %get3A_87 = tpu.vector_load %arg4[%get3A_86] {strides = array<i32>} : memref<2048xf32, #tpu.memory_space<vmem>>, vector<16xf32>,
    %bitcast_convert_type3A_88 = tpu.bitcast %get3A_87 : vector<16xf32> -> vector<16xi32>
    %ge3A_89 = vector.broadcast %scan3A_5#0 : i32 to vector<16xi32>
    %ge3A_90 = arith.cmpi sge, %bitcast_convert_type3A_88, %ge3A_89 : vector<16xi32>
    %jit3A_91 = arith.constant 1.000000e+00 : f32
    %jit3A_92 = arith.constant 0.000000e+00 : f32
    %broadcast_in_dim3A_93 = vector.broadcast %jit3A_91 : f32 to vector<16xf32>
    %broadcast_in_dim3A_94 = vector.broadcast %jit3A_92 : f32 to vector<16xf32>
    %select_n3A_95 = arith.select %ge3A_90, %broadcast_in_dim3A_93, %broadcast_in_dim3A_94 : vector<16xi1>, vector<16xf32>
    %swap3A_96 = arith.constant 96 : index
    %swap3A_97 = tpu.vector_load %arg5[%swap3A_96] {strides = array<i32>} : memref<128xf32, #tpu.memory_space<vmem>>, vector<16xf32>,
    tpu.vector_store %arg5[%swap3A_96], %select_n3A_95 {strides = array<i32>} : memref<128xf32, #tpu.memory_space<vmem>>, vector<16xf32>,
    %add3A_98 = arith.constant 112 : i32
    %add3A_99 = arith.addi %mul3A_7, %add3A_98 : i32
    %get3A_100 = arith.index_cast %add3A_99 : i32 to index
    %get3A_101 = tpu.vector_load %arg4[%get3A_100] {strides = array<i32>} : memref<2048xf32, #tpu.memory_space<vmem>>, vector<16xf32>,
    %bitcast_convert_type3A_102 = tpu.bitcast %get3A_101 : vector<16xf32> -> vector<16xi32>
    %ge3A_103 = vector.broadcast %scan3A_5#0 : i32 to vector<16xi32>
    %ge3A_104 = arith.cmpi sge, %bitcast_convert_type3A_102, %ge3A_103 : vector<16xi32>
    %jit3A_105 = arith.constant 1.000000e+00 : f32
    %jit3A_106 = arith.constant 0.000000e+00 : f32
    %broadcast_in_dim3A_107 = vector.broadcast %jit3A_105 : f32 to vector<16xf32>
    %broadcast_in_dim3A_108 = vector.broadcast %jit3A_106 : f32 to vector<16xf32>
    %select_n3A_109 = arith.select %ge3A_104, %broadcast_in_dim3A_107, %broadcast_in_dim3A_108 : vector<16xi1>, vector<16xf32>
    %swap3A_110 = arith.constant 112 : index
    %swap3A_111 = tpu.vector_load %arg5[%swap3A_110] {strides = array<i32>} : memref<128xf32, #tpu.memory_space<vmem>>, vector<16xf32>,
    tpu.vector_store %arg5[%swap3A_110], %select_n3A_109 {strides = array<i32>} : memref<128xf32, #tpu.memory_space<vmem>>, vector<16xf32>,
    "tpu.region"() ({
      %run_scoped3A = tpu.sem_alloc : memref<!tpu.dma_semaphore, #tpu.memory_space<semaphore_mem>>
      %dma_start3A = tpu.memref_slice %arg3[%mul3A_7] : memref<2048xf32, #tpu.memory_space<hbm>> -> memref<128xf32, #tpu.memory_space<hbm>>
      %dma_start3A_112 = tpu.memref_slice %arg3[%mul3A_7] : memref<2048xf32, #tpu.memory_space<hbm>> -> memref<128xf32, #tpu.memory_space<hbm>>
      tpu.enqueue_dma source(%arg5 : memref<128xf32, #tpu.memory_space<vmem>>) target(%dma_start3A_112 : memref<128xf32, #tpu.memory_space<hbm>>) target_semaphore(%run_scoped3A : memref<!tpu.dma_semaphore, #tpu.memory_space<semaphore_mem>>)
      %dma_wait3A = tpu.memref_slice %arg3[%mul3A_7] : memref<2048xf32, #tpu.memory_space<hbm>> -> memref<128xf32, #tpu.memory_space<hbm>>
      %dma_wait3A_113 = tpu.memref_slice %arg3[%mul3A_7] : memref<2048xf32, #tpu.memory_space<hbm>> -> memref<128xf32, #tpu.memory_space<hbm>>
      tpu.wait_dma2 semaphore(%run_scoped3A : memref<!tpu.dma_semaphore, #tpu.memory_space<semaphore_mem>>) src(%arg5 : memref<128xf32, #tpu.memory_space<vmem>>) dst(%dma_wait3A_113 : memref<128xf32, #tpu.memory_space<hbm>>)
      tpu.yield
    }) : () -> ()
    return
  }
}

module attributes {stable_mosaic.version = 14 : i64} {
  func.func @_tc1_body(%arg0: i32, %arg1: memref<1x2048xf32, #tpu.memory_space<vmem>>, %arg2: memref<512x2048xf32, #tpu.memory_space<vmem>>, %arg3: memref<512x2048xf32, #tpu.memory_space<vmem>>, %arg4: memref<1x2048xf32, #tpu.memory_space<vmem>>) attributes {dimension_semantics = [#tpu.dimension_semantics<arbitrary>], iteration_bounds = array<i64: 6>, scalar_prefetch = 0 : i64, scratch_operands = 1 : i64, tpu.core_type = #tpu.core_type<tc>, window_params = [{pipeline_mode = #tpu.pipeline_mode<synchronous>, transform_indices = @transform_0, window_bounds = array<i64: 1, 2048>}, {transform_indices = @transform_1, window_bounds = array<i64: 512, 2048>}, {transform_indices = @transform_2, window_bounds = array<i64: 512, 2048>}]} {
    %eq3A = arith.constant 0 : i32
    %eq3A_0 = arith.cmpi eq, %arg0, %eq3A : i32
    %convert_element_type3A = arith.extui %eq3A_0 : i1 to i32
    %cond3A = arith.constant 0 : i32
    %cond3A_1 = arith.cmpi ne, %convert_element_type3A, %cond3A : i32
    scf.if %cond3A_1 {
      %get3A_10 = arith.constant 0 : index
      %get3A_11 = arith.constant 0 : index
      %get3A_12 = vector.load %arg1[%get3A_10, %get3A_11] : memref<1x2048xf32, #tpu.memory_space<vmem>>, vector<1x2048xf32>
      %bitcast_convert_type3A = tpu.bitcast %get3A_12 : vector<1x2048xf32> -> vector<1x2048xi32>
      %scan3A = arith.constant 0 : i32
      %scan3A_13 = arith.constant 1065353216 : i32
      %scan3A_14 = arith.constant 0 : i32
      %scan3A_15 = arith.constant 31 : i32
      %scan3A_16 = arith.addi %scan3A_14, %scan3A_15 : i32
      %scan3A_17 = arith.constant 1 : i32
      %scan3A_18:2 = scf.for %scan3A_25 = %scan3A_14 to %scan3A_16 step %scan3A_17 iter_args(%scan3A_26 = %scan3A, %scan3A_27 = %scan3A_13) -> (i32, i32)  : i32 {
        %sub3A = arith.subi %scan3A_27, %scan3A_26 : i32
        %add3A = arith.constant 1 : i32
        %add3A_28 = arith.addi %sub3A, %add3A : i32
        %jit3A = arith.constant 2 : i32
        %div3A = arith.divsi %add3A_28, %jit3A : i32
        %sign3A = arith.constant 0 : i32
        %sign3A_29 = arith.cmpi sgt, %add3A_28, %sign3A : i32
        %sign3A_30 = arith.extui %sign3A_29 : i1 to i32
        %sign3A_31 = arith.constant 0 : i32
        %sign3A_32 = arith.cmpi slt, %add3A_28, %sign3A_31 : i32
        %sign3A_33 = arith.extui %sign3A_32 : i1 to i32
        %sign3A_34 = arith.subi %sign3A_30, %sign3A_33 : i32
        %sign3A_35 = arith.constant 0 : i32
        %sign3A_36 = arith.cmpi sgt, %jit3A, %sign3A_35 : i32
        %sign3A_37 = arith.extui %sign3A_36 : i1 to i32
        %sign3A_38 = arith.constant 0 : i32
        %sign3A_39 = arith.cmpi slt, %jit3A, %sign3A_38 : i32
        %sign3A_40 = arith.extui %sign3A_39 : i1 to i32
        %sign3A_41 = arith.subi %sign3A_37, %sign3A_40 : i32
        %ne3A = arith.cmpi ne, %sign3A_34, %sign3A_41 : i32
        %rem3A = arith.remsi %add3A_28, %jit3A : i32
        %ne3A_42 = arith.constant 0 : i32
        %ne3A_43 = arith.cmpi ne, %rem3A, %ne3A_42 : i32
        %and3A = arith.andi %ne3A, %ne3A_43 : i1
        %sub3A_44 = arith.constant 1 : i32
        %sub3A_45 = arith.subi %div3A, %sub3A_44 : i32
        %select_n3A = arith.select %and3A, %sub3A_45, %div3A : i32
        %add3A_46 = arith.addi %scan3A_26, %select_n3A : i32
        %ge3A_47 = vector.broadcast %add3A_46 : i32 to vector<1x2048xi32>
        %ge3A_48 = arith.cmpi sge, %bitcast_convert_type3A, %ge3A_47 : vector<1x2048xi32>
        %convert_element_type3A_49 = arith.extui %ge3A_48 : vector<1x2048xi1> to vector<1x2048xi32>
        %reduce_sum3A = vector.shape_cast %convert_element_type3A_49 : vector<1x2048xi32> to vector<1x1x2048xi32>
        %reduce_sum3A_50 = arith.constant dense<0> : vector<1xi32>
        %reduce_sum3A_51 = vector.multi_reduction <add>, %reduce_sum3A, %reduce_sum3A_50 [1, 2] : vector<1x1x2048xi32> to vector<1xi32>
        %reduce_sum3A_52 = vector.shape_cast %reduce_sum3A_51 : vector<1xi32> to vector<1x1x1xi32>
        %reduce_sum3A_53 = vector.extract %reduce_sum3A_52[0, 0, 0] : i32 from vector<1x1x1xi32>
        %ge3A_54 = arith.constant 512 : i32
        %ge3A_55 = arith.cmpi sge, %reduce_sum3A_53, %ge3A_54 : i32
        %select_n3A_56 = arith.select %ge3A_55, %add3A_46, %scan3A_26 : i32
        %sub3A_57 = arith.constant 1 : i32
        %sub3A_58 = arith.subi %add3A_46, %sub3A_57 : i32
        %select_n3A_59 = arith.select %ge3A_55, %scan3A_27, %sub3A_58 : i32
        scf.yield %select_n3A_56, %select_n3A_59 : i32, i32
      }
      %ge3A = vector.broadcast %scan3A_18#0 : i32 to vector<1x2048xi32>
      %ge3A_19 = arith.cmpi sge, %bitcast_convert_type3A, %ge3A : vector<1x2048xi32>
      %convert_element_type3A_20 = arith.extui %ge3A_19 : vector<1x2048xi1> to vector<1x2048xi32>
      %convert_element_type3A_21 = arith.sitofp %convert_element_type3A_20 : vector<1x2048xi32> to vector<1x2048xf32>
      %swap3A_22 = arith.constant 0 : index
      %swap3A_23 = arith.constant 0 : index
      %swap3A_24 = vector.load %arg4[%swap3A_22, %swap3A_23] : memref<1x2048xf32, #tpu.memory_space<vmem>>, vector<1x2048xf32>
      tpu.vector_store %arg4[%swap3A_22, %swap3A_23], %convert_element_type3A_21 {strides = array<i32>} : memref<1x2048xf32, #tpu.memory_space<vmem>>, vector<1x2048xf32>,
    } else {
    }
    %get3A = arith.constant 0 : index
    %get3A_2 = arith.constant 0 : index
    %get3A_3 = vector.load %arg2[%get3A, %get3A_2] : memref<512x2048xf32, #tpu.memory_space<vmem>>, vector<512x2048xf32>
    %get3A_4 = arith.constant 0 : index
    %get3A_5 = arith.constant 0 : index
    %get3A_6 = vector.load %arg4[%get3A_4, %get3A_5] : memref<1x2048xf32, #tpu.memory_space<vmem>>, vector<1x2048xf32>
    %mul3A = vector.broadcast %get3A_6 : vector<1x2048xf32> to vector<512x2048xf32>
    %mul3A_7 = arith.mulf %get3A_3, %mul3A : vector<512x2048xf32>
    %swap3A = arith.constant 0 : index
    %swap3A_8 = arith.constant 0 : index
    %swap3A_9 = vector.load %arg3[%swap3A, %swap3A_8] : memref<512x2048xf32, #tpu.memory_space<vmem>>, vector<512x2048xf32>
    tpu.vector_store %arg3[%swap3A, %swap3A_8], %mul3A_7 {strides = array<i32>} : memref<512x2048xf32, #tpu.memory_space<vmem>>, vector<512x2048xf32>,
    return
  }
  func.func @transform_0(%arg0: i32) -> (i32, i32) {
    %c0_i32 = arith.constant 0 : i32
    %c0_i32_0 = arith.constant 0 : i32
    %c0_i32_1 = arith.constant 0 : i32
    return %c0_i32, %c0_i32_0 : i32, i32
  }
  func.func @transform_1(%arg0: i32) -> (i32, i32) {
    %c0_i32 = arith.constant 0 : i32
    %c0_i32_0 = arith.constant 0 : i32
    return %arg0, %c0_i32 : i32, i32
  }
  func.func @transform_2(%arg0: i32) -> (i32, i32) {
    %c0_i32 = arith.constant 0 : i32
    %c0_i32_0 = arith.constant 0 : i32
    return %arg0, %c0_i32 : i32, i32
  }
}

module attributes {stable_mosaic.version = 14 : i64} {
  func.func @_tc2_body(%arg0: i32, %arg1: memref<1x2048xf32, #tpu.memory_space<vmem>>, %arg2: memref<1024x2048xf32, #tpu.memory_space<vmem>>, %arg3: memref<32768x2048xf32, #tpu.memory_space<any>>, %arg4: memref<1024x2048xf32, #tpu.memory_space<vmem>>) attributes {dimension_semantics = [#tpu.dimension_semantics<arbitrary>], iteration_bounds = array<i64: 29>, scalar_prefetch = 0 : i64, scratch_operands = 0 : i64, tpu.core_type = #tpu.core_type<tc>, window_params = [{pipeline_mode = #tpu.pipeline_mode<synchronous>, transform_indices = @transform_0, window_bounds = array<i64: 1, 2048>}, {transform_indices = @transform_1, window_bounds = array<i64: 1024, 2048>}, {}, {transform_indices = @transform_3, window_bounds = array<i64: 1024, 2048>}]} {
    %get3A = arith.constant 0 : index
    %get3A_0 = arith.constant 0 : index
    %get3A_1 = vector.load %arg2[%get3A, %get3A_0] : memref<1024x2048xf32, #tpu.memory_space<vmem>>, vector<1024x2048xf32>
    %get3A_2 = arith.constant 0 : index
    %get3A_3 = arith.constant 0 : index
    %get3A_4 = vector.load %arg1[%get3A_2, %get3A_3] : memref<1x2048xf32, #tpu.memory_space<vmem>>, vector<1x2048xf32>
    %mul3A = vector.broadcast %get3A_4 : vector<1x2048xf32> to vector<1024x2048xf32>
    %mul3A_5 = arith.mulf %get3A_1, %mul3A : vector<1024x2048xf32>
    %swap3A = arith.constant 0 : index
    %swap3A_6 = arith.constant 0 : index
    %swap3A_7 = vector.load %arg4[%swap3A, %swap3A_6] : memref<1024x2048xf32, #tpu.memory_space<vmem>>, vector<1024x2048xf32>
    tpu.vector_store %arg4[%swap3A, %swap3A_6], %mul3A_5 {strides = array<i32>} : memref<1024x2048xf32, #tpu.memory_space<vmem>>, vector<1024x2048xf32>,
    return
  }
  func.func @transform_0(%arg0: i32) -> (i32, i32) {
    %c0_i32 = arith.constant 0 : i32
    %c0_i32_0 = arith.constant 0 : i32
    %c0_i32_1 = arith.constant 0 : i32
    return %c0_i32, %c0_i32_0 : i32, i32
  }
  func.func @transform_1(%arg0: i32) -> (i32, i32) {
    %add3A = arith.constant 3 : i32
    %add3A_0 = arith.addi %arg0, %add3A : i32
    %c0_i32 = arith.constant 0 : i32
    %c0_i32_1 = arith.constant 0 : i32
    return %add3A_0, %c0_i32 : i32, i32
  }
  func.func @transform_3(%arg0: i32) -> (i32, i32) {
    %add3A = arith.constant 3 : i32
    %add3A_0 = arith.addi %arg0, %add3A : i32
    %c0_i32 = arith.constant 0 : i32
    %c0_i32_1 = arith.constant 0 : i32
    return %add3A_0, %c0_i32 : i32, i32
  }
}

</mosaic_0001>

<sc_bundles>
// kernel: kernel.5.cloned.1.call-start
scs
__scs_entry_jumppad:
0x0: {  	(pc) =	sbr.rel $0x88, $3  }
0x1: {  	(tag) =	ssettag $0x0;
	lr =	simm.s32 $0x1  }
0x2: {  	[smem:$0x3F9F] =	sst lr;
	_ =	strace $0xD0000000  }
0x3: {  	_ = 	snop  }
0x4: {  	_ = 	snop  }
0x5: {  	_ = 	snop  }
0x6: {  	_ = 	snop  }
0x7: {  	_ = 	snop  }
__scs_overlays_trampoline_lowered:
0x8: {  	[smem:$0x3FAE] =	sst s0  }
0x9: {  	[smem:$0x3FAF] =	sst s1  }
0xa: {  	[smem:$0x3FB0] =	sst s2  }
0xb: {  	[smem:$0x3FB1] =	sst s3  }
0xc: {  	[smem:$0x3FB2] =	sst s4  }
0xd: {  	[smem:$0x3FB3] =	sst s5  }
0xe: {  	[smem:$0x3FB4] =	sst s6  }
0xf: {  	[smem:$0x3FB5] =	sst s7  }
0x10: {  	[smem:$0x3FB6] =	sst s8  }
0x11: {  	[smem:$0x3FB7] =	sst s9;
	s0 =	simm.s32 @!p0 $0x0  }
0x12: {  	s1 =	sld [smem:$0x3F9D];
	s0 =	simm.s32 @p0 $0x1  }
0x13: {  	[smem:$0x3FB8] =	sst s0;
	s0 =	simm.s32 @!p1 $0x0  }
0x14: {  	s2 =	sld [smem:$0x3F9C];
	s0 =	simm.s32 @p1 $0x1  }
0x15: {  	[smem:$0x3FB9] =	sst s0;
	s0 =	simm.s32 @!p2 $0x0  }
0x16: {  	s3 =	sld [smem:$0x3FDB];
	s0 =	simm.s32 @p2 $0x1  }
0x17: {  	s4 =	simm.s32 $0x1BF5;
	[smem:$0x3FBB] =	sst s0  }
0x18: {  	s0 =	sld [smem:$0x3F9E];
	_ =	swait.ge [sflag:s4], $0x0  }
0x19: {  	s7 =	sld [smem:$0x3F9F]  }
0x1a: {  	s8 =	sadd.s32 $0xFFFFE003, lr  }
0x1b: {  	s9 =	sadd.s32 $0xFFFFFEF7, lr;
	s5 =	simm.s32 $0xFFFFFFFF;
	p2 =	slt.u32 s8, $0xFFFFF086  }
0x1c: {  	p1 =	slt.u32 s9, $0xF7A;
	s5 =	simm.s32 @!p2 $0x0  }
0x1d: {  	s5 =	simm.s32 @p1 $0x1;
	p0 =	seq.s32 s7, s2  }
0x1e: {  	s7 =	smul.u32 @!p0 $0xF7A, s2;
	p2 =	seq.s32 @!p0 s5, $0x0  }
0x1f: {  	s9 =	smul.u32 $0xF7A, s1;
	s8 =	simm.s32 @!p0 $0x1BF5;
	p2 =	por !p2, p0  }
0x20: {  	[sflag:s8] =	ssyncset.s32 @!p0 $0xFFFFF086;
	s6 =	sadd.s32 @!p0 s3, s7;
	s7 =	simm.s32 @!p0 $0x108  }
0x21: {  	s3 =	sadd.s32 s3, s9;
	s6 =	sadd.s32 @!p0 $0x88, s6;
	s7 =	simm.s32 @p2 $0x1082  }
0x22: {  	[simem:s7], [sflag:s8] =	dma.local @!p0 [hbm:s6], $0xF7A  }
0x23: {  	s9 =	sor.u32 $0xD0000000, s2;
	s6 =	simm.s32 $0x108;
	_ =	swait.ge @!p0 [sflag:s8], $0x0  }
0x24: {  	s3 =	sadd.s32 $0x88, s3;
	s6 =	simm.s32 @!p1 $0x1082;
	[sflag:s4] =	ssyncset.s32 $0xFFFFF086  }
0x25: {  	[simem:s6], [sflag:s4] =	dma.local [hbm:s3], $0xF7A  }
0x26: {  	[smem:$0x3F9F] =	sst s1;
	(tag) =	ssettag s2;
	_ =	strace s9  }
0x27: {  	s1 =	sld [smem:$0x3FAF]  }
0x28: {  	s2 =	sld [smem:$0x3FB0]  }
0x29: {  	s4 =	sld [smem:$0x3FB2]  }
0x2a: {  	p0 =	seq.s32 s5, $0x0;
	s5 =	sld [smem:$0x3FB3]  }
0x2b: {  	s6 =	sld [smem:$0x3FB4]  }
0x2c: {  	s7 =	sld [smem:$0x3FB5]  }
0x2d: {  	s3 =	simm.s32 $0x108;
	s8 =	sld [smem:$0x3FB6]  }
0x2e: {  	s3 =	simm.s32 @!p0 $0x1082;
	s9 =	sld [smem:$0x3FB7]  }
0x2f: {  	lr =	sadd.s32 s0, s3;
	s0 =	sld [smem:$0x3FAE]  }
0x30: {  	s3 =	sld [smem:$0x3FB1]  }
0x31: {  	[smem:$0x3FBA] =	sst s10  }
0x32: {  	s10 =	sld [smem:$0x3FB8];
	_ =	sdelay $0x3  }
0x33: {  	p0 =	seq.s32 s10, $0x1;
	s10 =	sld [smem:$0x3FBA];
	_ =	sdelay $0x3  }
0x34: {  	[smem:$0x3FBA] =	sst s10  }
0x35: {  	s10 =	sld [smem:$0x3FB9];
	_ =	sdelay $0x3  }
0x36: {  	p1 =	seq.s32 s10, $0x1;
	s10 =	sld [smem:$0x3FBA];
	_ =	sdelay $0x3  }
0x37: {  	[smem:$0x3FBA] =	sst s10  }
0x38: {  	s10 =	sld [smem:$0x3FBB]  }
0x39: {  	_ = 	snop;
	(pc) =	sbr.ind lr, $3  }
0x3a: {  	_ = 	snop  }
0x3b: {  	_ = 	snop  }
0x3c: {  	p2 =	seq.s32 s10, $0x1;
	s10 =	sld [smem:$0x3FBA]  }
0x3d: {  	_ =	shalt  }
0x3e: {  	_ =	shalt  }
0x3f: {  	_ =	shalt  }
0x40: {  	_ =	shalt  }
0x41: {  	_ =	shalt  }
0x42: {  	_ =	shalt  }
0x43: {  	_ =	shalt  }
0x44: {  	_ =	shalt  }
0x45: {  	_ =	shalt  }
0x46: {  	_ =	shalt  }
0x47: {  	_ =	shalt  }
0x48: {  	_ =	shalt  }
0x49: {  	_ =	shalt  }
0x4a: {  	_ =	shalt  }
0x4b: {  	_ =	shalt  }
0x4c: {  	_ =	shalt  }
0x4d: {  	_ =	shalt  }
0x4e: {  	_ =	shalt  }
0x4f: {  	_ =	shalt  }
0x50: {  	_ =	shalt  }
0x51: {  	_ =	shalt  }
0x52: {  	_ =	shalt  }
0x53: {  	_ =	shalt  }
0x54: {  	_ =	shalt  }
0x55: {  	_ =	shalt  }
0x56: {  	_ =	shalt  }
0x57: {  	_ =	shalt  }
0x58: {  	_ =	shalt  }
0x59: {  	_ =	shalt  }
0x5a: {  	_ =	shalt  }
0x5b: {  	_ =	shalt  }
0x5c: {  	_ =	shalt  }
0x5d: {  	_ =	shalt  }
0x5e: {  	_ =	shalt  }
0x5f: {  	_ =	shalt  }
0x60: {  	_ =	shalt  }
0x61: {  	_ =	shalt  }
0x62: {  	_ =	shalt  }
0x63: {  	_ =	shalt  }
0x64: {  	_ =	shalt  }
0x65: {  	_ =	shalt  }
0x66: {  	_ =	shalt  }
0x67: {  	_ =	shalt  }
0x68: {  	_ =	shalt  }
0x69: {  	_ =	shalt  }
0x6a: {  	_ =	shalt  }
0x6b: {  	_ =	shalt  }
0x6c: {  	_ =	shalt  }
0x6d: {  	_ =	shalt  }
0x6e: {  	_ =	shalt  }
0x6f: {  	_ =	shalt  }
0x70: {  	_ =	shalt  }
0x71: {  	_ =	shalt  }
0x72: {  	_ =	shalt  }
0x73: {  	_ =	shalt  }
0x74: {  	_ =	shalt  }
0x75: {  	_ =	shalt  }
0x76: {  	_ =	shalt  }
0x77: {  	_ =	shalt  }
0x78: {  	_ =	shalt  }
0x79: {  	_ =	shalt  }
0x7a: {  	_ =	shalt  }
0x7b: {  	_ =	shalt  }
0x7c: {  	_ =	shalt  }
0x7d: {  	_ =	shalt  }
0x7e: {  	_ =	shalt  }
0x7f: {  	_ =	shalt  }
0x80: {  	_ =	shalt  }
0x81: {  	_ =	shalt  }
0x82: {  	_ =	shalt  }
0x83: {  	_ =	shalt  }
0x84: {  	_ =	shalt  }
0x85: {  	_ =	shalt  }
0x86: {  	_ =	shalt  }
0x87: {  	_ =	shalt  }
.Lfunc_end0:
.L_simem_size_0:
called_computation_lowered:
.L_overlay_start_0:
0x88: {  	s0 =	sld [smem:$0x3FD9]  }
0x89: {  	s1 =	sld [smem:$0x3FFE];
	_ =	sdelay $0x3  }
0x8a: {  	s0 =	sadd.s32 s1, s0  }
0x8b: {  	[smem:$0x3FC6] =	sst s0  }
0x8c: {  	_ = 	snop  }
0x8d: {  	(tm) =	ssettm $0x1  }
0x8e: {  	s15 =	sld [smem:$0x3FFB];
	_ =	sdelay $0x3  }
0x8f: {  	_ =	strace s15  }
0x90: {  	s0 =	sld [smem:$0x3FFC];
	_ =	sdelay $0x3  }
0x91: {  	_ =	strace s0  }
0x92: {  	s0 =	sld [smem:$0x3FFD];
	_ =	sdelay $0x3  }
0x93: {  	_ =	strace s0  }
0x94: {  	_ =	strace $0x8FFFFFFF  }
0x95: {  	s16 =	sld [smem:$0x3FDB];
	_ =	sdelay $0x1  }
0x96: {  	s17 =	simm.s32 $_scs_section_size  }
0x97: {  	s2 =	simm.s32 $_size__tile_overlayer_lowered;
	s3 =	simm.s32 $_tile_overlayer_lowered  }
0x98: {  	s20 =	simm.s32 $0x1BFF;
	s19 =	sshll.u32 s3, $0x1;
	s0 =	sadd.s32 s17, s16  }
0x99: {  	s4 =	simm.s32 $0x0;
	s18 =	sshll.u32 s2, $0x1;
	s2 =	sadd.s32 s19, s0  }
0x9a: {  	[timem:s4], [sflag:s20] =	dma.local [hbm:s2], s18  }
0x9b: {  	_ =	swait.ge [sflag:s20], s18  }
0x9c: {  	s1 =	ssub.s32 $0x0, s18;
	[sflag:s20] =	ssyncset.done $0x0  }
0x9d: {  	[sflag:s20] =	ssyncadd.s32 s1;
	_ =	sdelay $0x1  }
0x9e: {  	s21 =	simm.s32 $0x1B8B  }
0x9f: {  	_ =	swait.ge [sflag:s21], $0x1  }
0xa0: {  	[sflag:s21] =	ssyncset.done $0x0  }
0xa1: {  	s23 =	simm.s32 $0x1B8E;
	s22 =	sld [smem:$0x3FFE];
	[sflag:s21] =	ssyncadd.s32 $0xFFFFFFFF  }
0xa2: {  	s24 =	simm.s32 $execute0_lowered;
	[smem:$0x3FD2] =	sst s23  }
0xa3: {  	s2 =	sshll.u32 s24, $0x1;
	_ =	strace $0x80000046;
	[dreg:$0x1] =	wrdreg $0xFFFFFFFF  }
0xa4: {  	s25 =	simm.s32 $_size_execute0_lowered;
	s0 =	sadd.s32 s0, s2;
	[dreg:$0x0] =	wrdreg $0x0  }
0xa5: {  	s2 =	sshll.u32 s25, $0x1;
	[dreg:$0x2] =	wrdreg s0  }
0xa6: {  	[dreg:$0x3] =	wrdreg s2  }
0xa7: {  	[dreg:$0x4] =	wrdreg $0xC0  }
0xa8: {  	_ =	task [dreg:s4], $0x5FFFF  }
0xa9: {  	[dreg:$0x1] =	wrdreg $0xFFFFFFFF  }
0xaa: {  	[dreg:$0x0] =	wrdreg $0x60  }
0xab: {  	[dreg:$0x2] =	wrdreg s22  }
0xac: {  	[dreg:$0x3] =	wrdreg $0x9  }
0xad: {  	_ =	task.clear_ibuf [dreg:s4], $0x4FFFF;
	_ =	strace $0x90000046  }
0xae: {  	s26 =	simm.s32 $0x9;
	_ =	strace $0x80000048  }
0xaf: {  	_ =	swait.ge [sflag:s26], $0x1  }
0xb0: {  	[sflag:s26] =	ssyncadd.s32 $0xFFFFFFFF  }
0xb1: {  	_ =	strace $0x90000048  }
0xb2: {  	_ =	sfence  }
0xb3: {  	s28 =	sld [smem:$0x0];
	_ =	sdelay $0x1  }
0xb4: {  	s29 =	srdreg.scid  }
0xb5: {  	s30 =	sshll.u32 s29, $0xD;
	s31 =	sshrl.u32 s29, $0x2  }
0xb6: {  	s1 =	sand.u32 $0x1, s29;
	s2 =	sand.u32 $0x4000, s30;
	s0 =	sadd.s32 s31, s28  }
0xb7: {  	s1 =	sor.u32 s2, s1;
	s0 =	sshll.u32 s0, $0x11  }
0xb8: {  	s0 =	sor.u32 s0, s1  }
0xb9: {  	s0 =	sadd.s32 $0x8F2B, s0  }
0xba: {  	[sflag:s0] =	ssyncadd.remote.s32 $0x1  }
0xbb: {  	_ =	sfence.sel $0xFFFF  }
0xbc: {  	[dreg:$0x0] =	wrdreg $0xFFFFFFFF;
	(pc) =	sbr.abs _section_cstart, $3  }
0xbd: {  	[dreg:$0x1] =	wrdreg $0xFFFFFFFF  }
0xbe: {  	_ =	task.clear_ibuf [dreg:s4], $0x2FFFF;
	_ =	strace $0x9FFFFFFF  }
0xbf: {  	(tm) =	ssettm $0x7FFFFFFF  }
tec
execute0_lowered:
.L_overlay_start_1:
0x0: {  	(tag) =	ssettag $0x1  }
0x1: {  	s1 =	rddreg [dreg:$0x0]  }
0x2: {  	s0 =	rddreg [dreg:$0x1];
	s2 =	simm.s32 $0x0  }
0x3: {  	[smem:$0x7FF] =	sst s2  }
0x4: {  	s4 =	simm.s32 $0x1;
	s3 =	sadd.s32 $0x800, s1;
	_ =	strace $0x80000047  }
0x5: {  	[tilespmem:s2], [sflag:$0x1] =	stream.linear.gather [hbm4b:s3+s2], $0x800, $0x38;
	[tilespmem:$0x880] =	vst v63  }
0x6: {  	s5 =	simm.s32 $0x3F800000;
	_ =	swait.ge [sflag:s4], $0x800  }
0x7: {  	s10 =	simm.s32 $0x0;
	s3 =	sadd.s32 $0xA00, s1;
	[sflag:s4] =	ssyncset.done $0x0  }
0x8: {  	v0 =	vimm.s32 $0x0;
	s1 =	stileid.u32;
	[sflag:s4] =	ssyncadd.s32 $0xFFFFF800;
	s4 =	simm.s32 $0x0  }
.LBB2_1:
0x9: {  	s6 =	ssub.s32 s5, s2  }
0xa: {  	s7 =	sadd.s32 $0x1, s6;
	p0 =	slt.u32 s6, $0x7FFFFFFF;
	s6 =	simm.s32 $0x1  }
0xb: {  	s6 =	simm.s32 @!p0 $0x0;
	s8 =	sshra.s32 s7, $0x1F  }
0xc: {  	s30 =	sand.u32 $0x1, s7;
	s6 =	sadd.s32 s6, s8  }
0xd: {  	s9 =	sshrl.u32 s7, $0x1F;
	p1 =	seq.s32 s30, $0x1;
	p6 =	sne.s32 s6, $0x1  }
0xe: {  	v2 =	vld [tilespmem:s10+$0x0];
	s31 =	sadd.s32 s9, s7;
	p0 =	por !p6, !p1  }
0xf: {  	v3 =	vld [tilespmem:s10+$0x10];
	s7 =	simm.s32 $0x1;
	s6 =	sshra.s32 s31, $0x1;
	p0 =	por !p0, !p0  }
0x10: {  	v6 =	vld [tilespmem:s10+$0x20];
	s6 =	sadd.s32 s2, s6;
	s7 =	simm.s32 @!p0 $0x0  }
0x11: {  	v5 =	vld [tilespmem:s10+$0x30];
	s6 =	ssub.s32 s6, s7  }
0x12: {  	v4 =	vld [tilespmem:s10+$0x40];
	v1 =	vmov s6  }
0x13: {  	vm0 =	vge.s32 v2, v1;
	v2 =	vld [tilespmem:s10+$0x50]  }
0x14: {  	v7 =	vsel vm0, $0x1, v0;
	vm0 =	vge.s32 v3, v1;
	v3 =	vld [tilespmem:s10+$0x60]  }
0x15: {  	s8 =	simm.s32 $0x400;
	s7 =	simm.s32 $0x80;
	v7 =	vadd.s32 v7, v0;
	v8 =	vsel vm0, $0x1, v0;
	vm0 =	vge.s32 v6, v1;
	v6 =	vld [tilespmem:s10+$0x70]  }
.LBB2_2:
0x16: {  	p0 =	sne.s32 s8, $0x1E00;
	v9 =	vld [tilespmem:s7+$0x0];
	v7 =	vadd.s32 v8, v7;
	v8 =	vsel vm0, $0x1, v0;
	vm0 =	vge.s32 v5, v1  }
0x17: {  	v10 =	vld [tilespmem:s7+$0x10];
	v5 =	vadd.s32 v8, v7;
	v7 =	vsel vm0, $0x1, v0;
	vm0 =	vge.s32 v4, v1  }
0x18: {  	v11 =	vld [tilespmem:s7+$0x20];
	v4 =	vadd.s32 v7, v5;
	v7 =	vsel vm0, $0x1, v0;
	vm0 =	vge.s32 v2, v1  }
.Ltmp0:
0x19: {  	v5 =	vld [tilespmem:s7+$0x30];
	v2 =	vadd.s32 v7, v4;
	v7 =	vsel vm0, $0x1, v0;
	vm0 =	vge.s32 v3, v1;
	(pc) =	sbr.rel @p0 .LBB2_2-.Ltmp0, $4  }
0x1a: {  	v4 =	vld [tilespmem:s7+$0x40];
	v3 =	vadd.s32 v7, v2;
	v7 =	vsel vm0, $0x1, v0;
	vm0 =	vge.s32 v6, v1  }
0x1b: {  	vm1 =	vge.s32 v9, v1;
	v2 =	vld [tilespmem:s7+$0x50];
	v6 =	vadd.s32 v7, v3;
	v7 =	vsel vm0, $0x1, v0  }
0x1c: {  	v8 =	vsel vm1, $0x1, v0;
	vm0 =	vge.s32 v10, v1;
	v3 =	vld [tilespmem:s7+$0x60];
	v6 =	vadd.s32 v7, v6  }
0x1d: {  	v7 =	vadd.s32 v8, v6;
	v8 =	vsel vm0, $0x1, v0;
	vm0 =	vge.s32 v11, v1;
	v6 =	vld [tilespmem:s7+$0x70];
	s7 =	sshra.s32 s8, $0x2;
	s8 =	sadd.s32 $0x200, s8  }
0x1e: {  	v9 =	vld [tilespmem:s7+$0x0];
	v7 =	vadd.s32 v8, v7;
	v50 =	vsel vm0, $0x1, v0;
	vm4 =	vge.s32 v5, v1  }
0x1f: {  	v51 =	vld [tilespmem:s7+$0x10];
	v7 =	vadd.s32 v50, v7;
	v52 =	vsel vm4, $0x1, v0;
	vm5 =	vge.s32 v4, v1  }
0x20: {  	v53 =	vld [tilespmem:s7+$0x20];
	v7 =	vadd.s32 v52, v7;
	v54 =	vsel vm5, $0x1, v0;
	vm6 =	vge.s32 v2, v1  }
0x21: {  	v2 =	vld [tilespmem:s7+$0x30];
	v7 =	vadd.s32 v54, v7;
	v55 =	vsel vm6, $0x1, v0;
	vm7 =	vge.s32 v3, v1  }
0x22: {  	v3 =	vld [tilespmem:s7+$0x40];
	v7 =	vadd.s32 v55, v7;
	v56 =	vsel vm7, $0x1, v0;
	vm8 =	vge.s32 v6, v1  }
0x23: {  	v57 =	vld [tilespmem:s7+$0x50];
	vm1 =	vge.s32 v9, v1;
	v7 =	vadd.s32 v56, v7;
	v58 =	vsel vm8, $0x1, v0  }
0x24: {  	v59 =	vld [tilespmem:s7+$0x60];
	vm9 =	vge.s32 v51, v1;
	v9 =	vsel vm1, $0x1, v0;
	v7 =	vadd.s32 v58, v7  }
0x25: {  	v61 =	vld [tilespmem:s7+$0x70];
	vm10 =	vge.s32 v53, v1;
	v60 =	vsel vm9, $0x1, v0;
	v7 =	vadd.s32 v9, v7  }
0x26: {  	v62 =	vsel vm10, $0x1, v0;
	vm11 =	vge.s32 v2, v1;
	v7 =	vadd.s32 v60, v7  }
0x27: {  	v63 =	vsel vm11, $0x1, v0;
	vm12 =	vge.s32 v3, v1;
	v2 =	vadd.s32 v62, v7  }
0x28: {  	vm13 =	vge.s32 v57, v1;
	v3 =	vsel vm12, $0x1, v0;
	v2 =	vadd.s32 v63, v2  }
0x29: {  	vm14 =	vge.s32 v59, v1;
	v2 =	vadd.s32 v3, v2;
	v3 =	vsel vm13, $0x1, v0  }
0x2a: {  	vm15 =	vge.s32 v61, v1;
	v2 =	vadd.s32 v3, v2;
	v3 =	vsel vm14, $0x1, v0  }
0x2b: {  	v1 =	vadd.s32 v3, v2;
	v2 =	vsel vm15, $0x1, v0  }
0x2c: {  	v1 =	vadd.s32 v2, v1  }
0x2d: {  	(xrf0) =	vadd.scan.msk.s32 $0xffff, v1;
	_ =	sdelay $0x5  }
0x2e: {  	v1, _, _ =	vpop (xrf0)  }
0x2f: {  	(v2sf) =	vpush v1, $0xF;
	_ =	sdelay $0xb  }
0x30: {  	s4 =	sadd.s32 $0x1, s4  }
0x31: {  	p1 =	sne.s32 s4, $0x1F  }
.Ltmp1:
0x32: {  	_ = 	snop;
	(pc) =	sbr.rel @p1 .LBB2_1-.Ltmp1, $4  }
0x33: {  	s31 =	spop (v2sf)  }
0x34: {  	s7 =	sadd.s32 $0xFFFFFFFF, s6;
	p0 =	sgt.s32 s31, $0x1FF  }
0x35: {  	s7 =	smov.u32 @p0 s5  }
0x36: {  	s2 =	smov.u32 @p0 s6;
	s5 =	smov.u32 s7  }
0x37: {  	s4 =	sshll.u32 s1, $0x7  }
0x38: {  	v0 =	vld [tilespmem:s4+$0x0];
	_ =	sdelay $0x4  }
0x39: {  	v63 =	vimm.f32 $1.000000000e+00;
	vm0 =	vlt.s32 v0, s2  }
0x3a: {  	v1 =	vsel vm0, $0x0, v63  }
0x3b: {  	[tilespmem:$0x800] =	vst v1  }
0x3c: {  	v1 =	vld [tilespmem:s4+$0x10];
	_ =	sdelay $0x4  }
0x3d: {  	vm9 =	vlt.s32 v1, s2  }
0x3e: {  	v1 =	vsel vm9, $0x0, v63  }
0x3f: {  	[tilespmem:$0x810] =	vst v1  }
0x40: {  	v1 =	vld [tilespmem:s4+$0x20];
	_ =	sdelay $0x4  }
0x41: {  	vm10 =	vlt.s32 v1, s2  }
0x42: {  	v1 =	vsel vm10, $0x0, v63  }
0x43: {  	[tilespmem:$0x820] =	vst v1  }
0x44: {  	v1 =	vld [tilespmem:s4+$0x30];
	_ =	sdelay $0x4  }
0x45: {  	vm11 =	vlt.s32 v1, s2  }
0x46: {  	v1 =	vsel vm11, $0x0, v63  }
0x47: {  	[tilespmem:$0x830] =	vst v1  }
0x48: {  	v1 =	vld [tilespmem:s4+$0x40];
	_ =	sdelay $0x4  }
0x49: {  	vm12 =	vlt.s32 v1, s2  }
0x4a: {  	v1 =	vsel vm12, $0x0, v63  }
0x4b: {  	[tilespmem:$0x840] =	vst v1  }
0x4c: {  	v1 =	vld [tilespmem:s4+$0x50];
	_ =	sdelay $0x4  }
0x4d: {  	vm13 =	vlt.s32 v1, s2  }
0x4e: {  	v1 =	vsel vm13, $0x0, v63  }
0x4f: {  	[tilespmem:$0x850] =	vst v1  }
0x50: {  	v1 =	vld [tilespmem:s4+$0x60];
	_ =	sdelay $0x4  }
0x51: {  	vm14 =	vlt.s32 v1, s2  }
0x52: {  	v1 =	vsel vm14, $0x0, v63  }
0x53: {  	[tilespmem:$0x860] =	vst v1  }
0x54: {  	v1 =	vld [tilespmem:s4+$0x70];
	_ =	sdelay $0x4  }
0x55: {  	vm15 =	vlt.s32 v1, s2  }
0x56: {  	s28 =	sshll.u32 s1, $0x4;
	s29 =	simm.s32 $0x0;
	v0 =	vsel vm15, $0x0, v63  }
0x57: {  	s30 =	simm.s32 $0x800;
	s31 =	simm.s32 $0x1;
	s2 =	sadd.s32 s3, s28;
	[tilespmem:$0x870] =	vst v0  }
0x58: {  	[hbm4b:s2+s29] =	stream.linear.scatter [tilespmem:s30], [sflag:$0x1], $0x80, $0x38;
	[tilespmem:$0x880] =	vst v63  }
0x59: {  	_ =	swait.ge [sflag:s31], $0x80  }
0x5a: {  	[sflag:s31] =	ssyncset.done $0x0  }
0x5b: {  	[sflag:s31] =	ssyncadd.s32 $0xFFFFFF80  }
0x5c: {  	_ =	sfence.sel $0x180000  }
0x5d: {  	[bflag:$0x0] =	sbarrier.arrive $0xFFFF  }
0x5e: {  	p0 =	sne.s32 s1, $0x0;
	_ =	strace $0x90000047  }
0x5f: {  	s0 =	sadd.s32 @!p0 $0x100000, s0;
	[bflag:$0x2] =	sbarrier.arrive $0xFFFF  }
0x60: {  	[sflag:s0] =	ssyncadd.tile.s32 @!p0 $0x1;
	_ =	shalt  }
.Lfunc_end2:
_tile_overlayer_lowered:
.L_overlay_start_2:
0x61: {  	(tag) =	ssettag $0x2  }
0x62: {  	s0 =	rddreg [dreg:$0x0];
	s2 =	stileid.u32  }
0x63: {  	s1 =	rddreg [dreg:$0x1];
	p0 =	sne.s32 s2, $0x0  }
0x64: {  	s3 =	rddreg [dreg:$0x2];
	[bflag:$0x3] =	sbarrier.arrive $0xFFFF;
	s2 =	simm.s32 @!p0 $0x1C01  }
0x65: {  	[timem:s3], [sflag:s2] =	dma.local @!p0 [hbm:s0], s1  }
0x66: {  	s0 =	simm.s32 @!p0 $0x1  }
0x67: {  	_ =	swait.ge @!p0 [sflag:s0], s1  }
0x68: {  	s1 =	ssub.s32 @!p0 $0x0, s1;
	[sflag:s0] =	ssyncset.done @!p0 $0x0  }
0x69: {  	[sflag:s0] =	ssyncadd.s32 @!p0 s1  }
0x6a: {  	[bflag:$0x3] =	sbarrier.arrive $0xFFFF  }
0x6b: {  	_ =	shalt  }

</sc_bundles>
